<compile_context>
chip_gen: v7x
topology: tpu7x:2x2x1
jax: 0.10.2.dev20260603
libtpu: 0.0.44.dev20260713+nightly
codegen_flags: <defaults>
</compile_context>

<pallas_src>
import functools

import jax
import jax.numpy as jnp
from jax import lax
from jax.experimental import pallas as pl
from jax.experimental.pallas import tpu as pltpu
from jax.experimental.pallas import tpu_sc as plsc

B, C, H, W = 8, 128, 152, 272
HW = H * W
K = 64
MARGIN = 10.0
NW = 16
ROWS = B * K
RPW = ROWS // NW


def _sc_gather(table, ind_flat):
    mesh = plsc.VectorSubcoreMesh(core_axis_name="c", subcore_axis_name="s", num_cores=1)

    @functools.partial(
        pl.kernel,
        out_type=jax.ShapeDtypeStruct((ROWS, C), jnp.float32),
        mesh=mesh,
        scratch_types=[
            pltpu.VMEM((RPW,), jnp.int32),
            pltpu.VMEM((RPW,), jnp.int32),
            pltpu.VMEM((RPW, C), jnp.float32),
            pltpu.SemaphoreType.DMA,
        ],
    )
    def gather_kernel(table_hbm, ind_hbm, out_hbm, ind_v, idx_v, rows_v, sem):
        wid = lax.axis_index("s")
        base = wid * RPW
        pltpu.sync_copy(ind_hbm.at[pl.ds(base, RPW)], ind_v)
        b_off = (base // K) * HW
        idx_v[...] = ind_v[...] + b_off
        pltpu.async_copy(table_hbm.at[idx_v], rows_v, sem).wait()
        pltpu.sync_copy(rows_v, out_hbm.at[pl.ds(base, RPW)])

    return gather_kernel(table, ind_flat)


def _tc_mine(gathered, scale):

    def mine_kernel(scale_ref, g_ref, out_ref):
        s = scale_ref[0, 0]
        acc = jnp.float32(0.0)
        row_i = lax.broadcasted_iota(jnp.int32, (K, K), 0)
        col_j = lax.broadcasted_iota(jnp.int32, (K, K), 1)
        diag = row_i == col_j
        for b in range(B):
            g = g_ref[pl.ds(b * K, K), :]
            n2 = jnp.sum(g * g, axis=1, keepdims=True)
            inv = s / jnp.maximum(jnp.sqrt(n2), 1e-12)
            e = g * inv
            gram = lax.dot_general(
                e, e, (((1,), (1,)), ((), ())),
                preferred_element_type=jnp.float32,
                precision=lax.Precision.HIGHEST,
            )
            s2 = jnp.sum(e * e, axis=1)
            d2 = s2[:, None] + s2[None, :] - 2.0 * gram
            d2 = jnp.where(diag, jnp.inf, jnp.maximum(d2, 0.0))
            nd = jnp.min(jnp.sqrt(d2), axis=1)
            acc += jnp.sum(jnp.maximum(0.0, MARGIN - nd))
        out_ref[0, 0] = acc / jnp.float32(ROWS)

    return pl.pallas_call(
        mine_kernel,
        out_shape=jax.ShapeDtypeStruct((1, 1), jnp.float32),
        in_specs=[
            pl.BlockSpec(memory_space=pltpu.SMEM),
            pl.BlockSpec(memory_space=pltpu.VMEM),
        ],
        out_specs=pl.BlockSpec(memory_space=pltpu.SMEM),
    )(scale, gathered)


def kernel(output_id, ind, reg_mask, emb_scale):
    del reg_mask
    table = jnp.transpose(output_id, (0, 2, 3, 1)).reshape(B * HW, C)
    gathered = _sc_gather(table, ind.reshape(ROWS))
    scale = jnp.full((1, 1), emb_scale, dtype=jnp.float32)
    loss = _tc_mine(gathered, scale)
    return loss.reshape(())

# --- scband reference (transcript-rebuilt; emitter-appended) ---
"""Pipeline reference for scband-pair-loss-50483045597572 (READ-ONLY COPY).

The authoritative reference and input builder live on the scoring server;
editing this copy changes nothing except your own understanding.
"""

import jax, jax.numpy as jnp
import numpy as np

B, C, H, W = 8, 128, 152, 272
K = 64
MARGIN = 10.0


def setup_inputs(seed: int = 0) -> dict:
    key = jax.random.key(seed)
    k1, k2 = jax.random.split(key)
    output_id = jax.random.normal(k1, (B, C, H, W), dtype=jnp.float32)
    ind = jax.random.randint(k2, (B, K), 0, H * W, dtype=jnp.int32)
    reg_mask = jnp.ones((B, K), dtype=jnp.int32)
    return {"output_id": output_id, "ind": ind, "reg_mask": reg_mask, "emb_scale": 10}


def _gather_feat(output_id, ind):
    # _tranpose_and_gather_feat: [B,C,H,W] -> [B,H,W,C] -> [B,H*W,C] -> gather -> [B,K,C]
    Bn, Cn, Hn, Wn = output_id.shape
    feat = jnp.transpose(output_id, (0, 2, 3, 1)).reshape(Bn, Hn * Wn, Cn)
    return jnp.take_along_axis(feat, ind[:, :, None], axis=1)


def reference(output_id, ind, reg_mask, emb_scale):
    # reg_mask is all ones, so every anchor in every batch row is kept (s_n = K, static)
    gathered = _gather_feat(output_id, ind)  # [B, K, C]
    norms = jnp.sqrt(jnp.sum(gathered ** 2, axis=-1, keepdims=True))
    norms = jnp.maximum(norms, 1e-12)
    emb = emb_scale * gathered / norms  # emb_scale * F.normalize
    # hardest negative mining: for each anchor i, min_{k != i} ||e_i - e_k||_2
    diff = emb[:, :, None, :] - emb[:, None, :, :]  # [B, K, K, C]
    d2 = jnp.sum(diff ** 2, axis=-1)  # [B, K, K]
    eye = jnp.eye(emb.shape[1], dtype=bool)[None]
    d2 = jnp.where(eye, jnp.inf, d2)
    d = jnp.sqrt(d2)
    neg_distance = jnp.min(d, axis=2).reshape(-1)  # [B*K]
    # HingeEmbeddingLoss with y = -1: mean(max(0, margin - x))
    loss = jnp.mean(jnp.maximum(0.0, MARGIN - neg_distance))
    return loss


if False:  # reference __main__ guard neutralized (emitter)
    inp = setup_inputs()
    out = reference(**inp)
    print(out)

if __name__ == "__main__":
    import jax
    _d = setup_inputs()
    print(jax.jit(kernel)(*tuple(_d.values())))

</pallas_src>

<mosaic_0001>
#map = affine_map<(d0, d1) -> (0, 0)>
#map1 = affine_map<(d0, d1) -> (0)>
module attributes {stable_mosaic.version = 14 : i64} {
  func.func @gather_kernel(%arg0: i32, %arg1: i32, %arg2: memref<330752x128xf32, #tpu.memory_space<hbm>>, %arg3: memref<512xi32, #tpu.memory_space<hbm>>, %arg4: memref<512x128xf32, #tpu.memory_space<hbm>>, %arg5: memref<32xi32, #tpu.memory_space<vmem>>, %arg6: memref<32xi32, #tpu.memory_space<vmem>>, %arg7: memref<32x128xf32, #tpu.memory_space<vmem>>, %arg8: memref<!tpu.dma_semaphore, #tpu.memory_space<semaphore_mem>>) attributes {dimension_semantics = [#tpu.dimension_semantics<core_parallel>, #tpu.dimension_semantics<subcore_parallel>], iteration_bounds = array<i64: 1, 16>, scalar_prefetch = 0 : i64, scratch_operands = 4 : i64, tpu.core_type = #tpu.core_type<sc_vector_subcore>, window_params = [{transform_indices = #map}, {transform_indices = #map1}, {transform_indices = #map}]} {
    %mul3A = arith.constant 32 : i32
    %mul3A_0 = arith.muli %arg1, %mul3A : i32
    "tpu.region"() ({
      %run_scoped3A = tpu.sem_alloc : memref<!tpu.dma_semaphore, #tpu.memory_space<semaphore_mem>>
      %dma_start3A_29 = tpu.memref_slice %arg3[%mul3A_0] : memref<512xi32, #tpu.memory_space<hbm>> -> memref<32xi32, #tpu.memory_space<hbm>>
      %dma_start3A_30 = tpu.memref_slice %arg3[%mul3A_0] : memref<512xi32, #tpu.memory_space<hbm>> -> memref<32xi32, #tpu.memory_space<hbm>>
      tpu.enqueue_dma source(%dma_start3A_30 : memref<32xi32, #tpu.memory_space<hbm>>) target(%arg5 : memref<32xi32, #tpu.memory_space<vmem>>) target_semaphore(%run_scoped3A : memref<!tpu.dma_semaphore, #tpu.memory_space<semaphore_mem>>)
      %dma_wait3A_31 = tpu.memref_slice %arg3[%mul3A_0] : memref<512xi32, #tpu.memory_space<hbm>> -> memref<32xi32, #tpu.memory_space<hbm>>
      %dma_wait3A_32 = tpu.memref_slice %arg3[%mul3A_0] : memref<512xi32, #tpu.memory_space<hbm>> -> memref<32xi32, #tpu.memory_space<hbm>>
      tpu.wait_dma2 semaphore(%run_scoped3A : memref<!tpu.dma_semaphore, #tpu.memory_space<semaphore_mem>>) src(%dma_wait3A_32 : memref<32xi32, #tpu.memory_space<hbm>>) dst(%arg5 : memref<32xi32, #tpu.memory_space<vmem>>)
      tpu.yield
    }) : () -> ()
    %jit3A = arith.constant 64 : i32
    %div3A = arith.divsi %mul3A_0, %jit3A : i32
    %sign3A = arith.constant 0 : i32
    %sign3A_1 = arith.cmpi sgt, %mul3A_0, %sign3A : i32
    %sign3A_2 = arith.extui %sign3A_1 : i1 to i32
    %sign3A_3 = arith.constant 0 : i32
    %sign3A_4 = arith.cmpi slt, %mul3A_0, %sign3A_3 : i32
    %sign3A_5 = arith.extui %sign3A_4 : i1 to i32
    %sign3A_6 = arith.subi %sign3A_2, %sign3A_5 : i32
    %sign3A_7 = arith.constant 0 : i32
    %sign3A_8 = arith.cmpi sgt, %jit3A, %sign3A_7 : i32
    %sign3A_9 = arith.extui %sign3A_8 : i1 to i32
    %sign3A_10 = arith.constant 0 : i32
    %sign3A_11 = arith.cmpi slt, %jit3A, %sign3A_10 : i32
    %sign3A_12 = arith.extui %sign3A_11 : i1 to i32
    %sign3A_13 = arith.subi %sign3A_9, %sign3A_12 : i32
    %ne3A = arith.cmpi ne, %sign3A_6, %sign3A_13 : i32
    %rem3A = arith.remsi %mul3A_0, %jit3A : i32
    %ne3A_14 = arith.constant 0 : i32
    %ne3A_15 = arith.cmpi ne, %rem3A, %ne3A_14 : i32
    %and3A = arith.andi %ne3A, %ne3A_15 : i1
    %sub3A = arith.constant 1 : i32
    %sub3A_16 = arith.subi %div3A, %sub3A : i32
    %select_n3A = arith.select %and3A, %sub3A_16, %div3A : i32
    %mul3A_17 = arith.constant 41344 : i32
    %mul3A_18 = arith.muli %select_n3A, %mul3A_17 : i32
    %get3A = arith.constant 0 : index
    %get3A_19 = tpu.vector_load %arg5[%get3A] {strides = array<i32>} : memref<32xi32, #tpu.memory_space<vmem>>, vector<32xi32>,
    %get3A_20 = vector.shape_cast %get3A_19 : vector<32xi32> to vector<32xi32>
    %add3A = vector.broadcast %mul3A_18 : i32 to vector<32xi32>
    %add3A_21 = arith.addi %get3A_20, %add3A : vector<32xi32>
    %swap3A = arith.constant 0 : index
    %swap3A_22 = tpu.vector_load %arg6[%swap3A] {strides = array<i32>} : memref<32xi32, #tpu.memory_space<vmem>>, vector<32xi32>,
    %swap3A_23 = vector.shape_cast %swap3A_22 : vector<32xi32> to vector<32xi32>
    %swap3A_24 = vector.shape_cast %add3A_21 : vector<32xi32> to vector<32xi32>
    tpu.vector_store %arg6[%swap3A], %swap3A_24 {strides = array<i32>} : memref<32xi32, #tpu.memory_space<vmem>>, vector<32xi32>,
    %dma_start3A = arith.constant 0 : i32
    %dma_start3A_25 = arith.constant 0 : i32
    %dma_start3A_26 = tpu.memref_slice %arg2[%dma_start3A, %dma_start3A_25] : memref<330752x128xf32, #tpu.memory_space<hbm>> -> memref<330752x128xf32, #tpu.memory_space<hbm>>
    tpu.enqueue_indirect_dma source(%dma_start3A_26 : memref<330752x128xf32, #tpu.memory_space<hbm>>) target(%arg7 : memref<32x128xf32, #tpu.memory_space<vmem>>) offsets(%arg6 : memref<32xi32, #tpu.memory_space<vmem>>) semaphore(%arg8 : memref<!tpu.dma_semaphore, #tpu.memory_space<semaphore_mem>>)
    %dma_wait3A = arith.constant 0 : i32
    %dma_wait3A_27 = arith.constant 0 : i32
    %dma_wait3A_28 = tpu.memref_slice %arg2[%dma_wait3A, %dma_wait3A_27] : memref<330752x128xf32, #tpu.memory_space<hbm>> -> memref<330752x128xf32, #tpu.memory_space<hbm>>
    tpu.wait_indirect_dma semaphore(%arg8 : memref<!tpu.dma_semaphore, #tpu.memory_space<semaphore_mem>>) src(%dma_wait3A_28 : memref<330752x128xf32, #tpu.memory_space<hbm>>) dst(%arg7 : memref<32x128xf32, #tpu.memory_space<vmem>>)
    "tpu.region"() ({
      %run_scoped3A = tpu.sem_alloc : memref<!tpu.dma_semaphore, #tpu.memory_space<semaphore_mem>>
      %dma_start3A_29 = arith.constant 0 : i32
      %dma_start3A_30 = tpu.memref_slice %arg4[%mul3A_0, %dma_start3A_29] : memref<512x128xf32, #tpu.memory_space<hbm>> -> memref<32x128xf32, #tpu.memory_space<hbm>>
      %dma_start3A_31 = arith.constant 0 : i32
      %dma_start3A_32 = tpu.memref_slice %arg4[%mul3A_0, %dma_start3A_31] : memref<512x128xf32, #tpu.memory_space<hbm>> -> memref<32x128xf32, #tpu.memory_space<hbm>>
      tpu.enqueue_dma source(%arg7 : memref<32x128xf32, #tpu.memory_space<vmem>>) target(%dma_start3A_32 : memref<32x128xf32, #tpu.memory_space<hbm>>) target_semaphore(%run_scoped3A : memref<!tpu.dma_semaphore, #tpu.memory_space<semaphore_mem>>)
      %dma_wait3A_33 = arith.constant 0 : i32
      %dma_wait3A_34 = tpu.memref_slice %arg4[%mul3A_0, %dma_wait3A_33] : memref<512x128xf32, #tpu.memory_space<hbm>> -> memref<32x128xf32, #tpu.memory_space<hbm>>
      %dma_wait3A_35 = arith.constant 0 : i32
      %dma_wait3A_36 = tpu.memref_slice %arg4[%mul3A_0, %dma_wait3A_35] : memref<512x128xf32, #tpu.memory_space<hbm>> -> memref<32x128xf32, #tpu.memory_space<hbm>>
      tpu.wait_dma2 semaphore(%run_scoped3A : memref<!tpu.dma_semaphore, #tpu.memory_space<semaphore_mem>>) src(%arg7 : memref<32x128xf32, #tpu.memory_space<vmem>>) dst(%dma_wait3A_36 : memref<32x128xf32, #tpu.memory_space<hbm>>)
      tpu.yield
    }) : () -> ()
    return
  }
}

module attributes {stable_mosaic.version = 14 : i64} {
  func.func @mine_kernel(%arg0: memref<1x1xf32, #tpu.memory_space<smem>>, %arg1: memref<512x128xf32, #tpu.memory_space<vmem>>, %arg2: memref<1x1xf32, #tpu.memory_space<smem>>) attributes {dimension_semantics = [], scalar_prefetch = 0 : i64, scratch_operands = 0 : i64, tpu.core_type = #tpu.core_type<tc>} {
    %get3A = arith.constant 0 : index
    %get3A_0 = arith.constant 0 : index
    %get3A_1 = memref.load %arg0[%get3A, %get3A_0] : memref<1x1xf32, #tpu.memory_space<smem>>
    %iota3A = tpu.iota {dimensions = array<i32: 0>} : vector<64x64xi32>
    %iota3A_2 = tpu.iota {dimensions = array<i32: 1>} : vector<64x64xi32>
    %eq3A = arith.cmpi eq, %iota3A, %iota3A_2 : vector<64x64xi32>
    %get3A_3 = arith.constant 0 : index
    %get3A_4 = arith.constant 0 : index
    %get3A_5 = vector.load %arg1[%get3A_3, %get3A_4] : memref<512x128xf32, #tpu.memory_space<vmem>>, vector<64x128xf32>
    %mul3A = arith.mulf %get3A_5, %get3A_5 : vector<64x128xf32>
    %reduce_sum3A = arith.constant dense<0.000000e+00> : vector<64xf32>
    %reduce_sum3A_6 = vector.multi_reduction <add>, %mul3A, %reduce_sum3A [1] : vector<64x128xf32> to vector<64xf32>
    %broadcast_in_dim3A = vector.shape_cast %reduce_sum3A_6 : vector<64xf32> to vector<64x1xf32>
    %sqrt3A = math.sqrt %broadcast_in_dim3A : vector<64x1xf32>
    %max3A = arith.constant 9.99999996E-13 : f32
    %max3A_7 = vector.broadcast %max3A : f32 to vector<64x1xf32>
    %max3A_8 = arith.maximumf %sqrt3A, %max3A_7 : vector<64x1xf32>
    %div3A = vector.broadcast %get3A_1 : f32 to vector<64x1xf32>
    %div3A_9 = arith.divf %div3A, %max3A_8 : vector<64x1xf32>
    %mul3A_10 = vector.broadcast %div3A_9 : vector<64x1xf32> to vector<64x128xf32>
    %mul3A_11 = arith.mulf %get3A_5, %mul3A_10 : vector<64x128xf32>
    %dot_general3A = arith.constant dense<0.000000e+00> : vector<64x64xf32>
    %dot_general3A_12 = tpu.matmul %mul3A_11, %mul3A_11, %dot_general3A {dimension_numbers = #tpu.dot_dimension_numbers<[1], [1], [0], [0], [0, 0, 1, 0], [], []>, precision = #tpu.contract_precision<fp32>, transpose_lhs_hint = false} : vector<64x128xf32>, vector<64x128xf32>, vector<64x64xf32> -> vector<64x64xf32>
    %mul3A_13 = arith.mulf %mul3A_11, %mul3A_11 : vector<64x128xf32>
    %reduce_sum3A_14 = arith.constant dense<0.000000e+00> : vector<64xf32>
    %reduce_sum3A_15 = vector.multi_reduction <add>, %mul3A_13, %reduce_sum3A_14 [1] : vector<64x128xf32> to vector<64xf32>
    %broadcast_in_dim3A_16 = vector.shape_cast %reduce_sum3A_15 : vector<64xf32> to vector<64x1xf32>
    %broadcast_in_dim3A_17 = vector.shape_cast %reduce_sum3A_15 : vector<64xf32> to vector<1x64xf32>
    %add3A = vector.broadcast %broadcast_in_dim3A_16 : vector<64x1xf32> to vector<64x64xf32>
    %add3A_18 = vector.broadcast %broadcast_in_dim3A_17 : vector<1x64xf32> to vector<64x64xf32>
    %add3A_19 = arith.addf %add3A, %add3A_18 : vector<64x64xf32>
    %mul3A_20 = arith.constant 2.000000e+00 : f32
    %mul3A_21 = vector.broadcast %mul3A_20 : f32 to vector<64x64xf32>
    %mul3A_22 = arith.mulf %mul3A_21, %dot_general3A_12 : vector<64x64xf32>
    %sub3A = arith.subf %add3A_19, %mul3A_22 : vector<64x64xf32>
    %max3A_23 = arith.constant 0.000000e+00 : f32
    %max3A_24 = vector.broadcast %max3A_23 : f32 to vector<64x64xf32>
    %max3A_25 = arith.maximumf %sub3A, %max3A_24 : vector<64x64xf32>
    %jit3A = arith.constant 0x7F800000 : f32
    %broadcast_in_dim3A_26 = vector.broadcast %jit3A : f32 to vector<64x64xf32>
    %select_n3A = arith.select %eq3A, %broadcast_in_dim3A_26, %max3A_25 : vector<64x64xi1>, vector<64x64xf32>
    %sqrt3A_27 = math.sqrt %select_n3A : vector<64x64xf32>
    %reduce_min3A = arith.constant dense<0x7F800000> : vector<64xf32>
    %reduce_min3A_28 = vector.multi_reduction <minimumf>, %sqrt3A_27, %reduce_min3A [1] : vector<64x64xf32> to vector<64xf32>
    %sub3A_29 = arith.constant 1.000000e+01 : f32
    %sub3A_30 = vector.broadcast %sub3A_29 : f32 to vector<64xf32>
    %sub3A_31 = arith.subf %sub3A_30, %reduce_min3A_28 : vector<64xf32>
    %max3A_32 = arith.constant 0.000000e+00 : f32
    %max3A_33 = vector.broadcast %max3A_32 : f32 to vector<64xf32>
    %max3A_34 = arith.maximumf %max3A_33, %sub3A_31 : vector<64xf32>
    %reduce_sum3A_35 = vector.shape_cast %max3A_34 : vector<64xf32> to vector<1x64xf32>
    %reduce_sum3A_36 = arith.constant dense<0.000000e+00> : vector<1xf32>
    %reduce_sum3A_37 = vector.multi_reduction <add>, %reduce_sum3A_35, %reduce_sum3A_36 [1] : vector<1x64xf32> to vector<1xf32>
    %reduce_sum3A_38 = vector.shape_cast %reduce_sum3A_37 : vector<1xf32> to vector<1x1xf32>
    %reduce_sum3A_39 = vector.extract %reduce_sum3A_38[0, 0] : f32 from vector<1x1xf32>
    %add3A_40 = arith.constant 0.000000e+00 : f32
    %add3A_41 = arith.addf %add3A_40, %reduce_sum3A_39 : f32
    %get3A_42 = arith.constant 64 : index
    %get3A_43 = arith.constant 0 : index
    %get3A_44 = vector.load %arg1[%get3A_42, %get3A_43] : memref<512x128xf32, #tpu.memory_space<vmem>>, vector<64x128xf32>
    %mul3A_45 = arith.mulf %get3A_44, %get3A_44 : vector<64x128xf32>
    %reduce_sum3A_46 = arith.constant dense<0.000000e+00> : vector<64xf32>
    %reduce_sum3A_47 = vector.multi_reduction <add>, %mul3A_45, %reduce_sum3A_46 [1] : vector<64x128xf32> to vector<64xf32>
    %broadcast_in_dim3A_48 = vector.shape_cast %reduce_sum3A_47 : vector<64xf32> to vector<64x1xf32>
    %sqrt3A_49 = math.sqrt %broadcast_in_dim3A_48 : vector<64x1xf32>
    %max3A_50 = arith.constant 9.99999996E-13 : f32
    %max3A_51 = vector.broadcast %max3A_50 : f32 to vector<64x1xf32>
    %max3A_52 = arith.maximumf %sqrt3A_49, %max3A_51 : vector<64x1xf32>
    %div3A_53 = vector.broadcast %get3A_1 : f32 to vector<64x1xf32>
    %div3A_54 = arith.divf %div3A_53, %max3A_52 : vector<64x1xf32>
    %mul3A_55 = vector.broadcast %div3A_54 : vector<64x1xf32> to vector<64x128xf32>
    %mul3A_56 = arith.mulf %get3A_44, %mul3A_55 : vector<64x128xf32>
    %dot_general3A_57 = arith.constant dense<0.000000e+00> : vector<64x64xf32>
    %dot_general3A_58 = tpu.matmul %mul3A_56, %mul3A_56, %dot_general3A_57 {dimension_numbers = #tpu.dot_dimension_numbers<[1], [1], [0], [0], [0, 0, 1, 0], [], []>, precision = #tpu.contract_precision<fp32>, transpose_lhs_hint = false} : vector<64x128xf32>, vector<64x128xf32>, vector<64x64xf32> -> vector<64x64xf32>
    %mul3A_59 = arith.mulf %mul3A_56, %mul3A_56 : vector<64x128xf32>
    %reduce_sum3A_60 = arith.constant dense<0.000000e+00> : vector<64xf32>
    %reduce_sum3A_61 = vector.multi_reduction <add>, %mul3A_59, %reduce_sum3A_60 [1] : vector<64x128xf32> to vector<64xf32>
    %broadcast_in_dim3A_62 = vector.shape_cast %reduce_sum3A_61 : vector<64xf32> to vector<64x1xf32>
    %broadcast_in_dim3A_63 = vector.shape_cast %reduce_sum3A_61 : vector<64xf32> to vector<1x64xf32>
    %add3A_64 = vector.broadcast %broadcast_in_dim3A_62 : vector<64x1xf32> to vector<64x64xf32>
    %add3A_65 = vector.broadcast %broadcast_in_dim3A_63 : vector<1x64xf32> to vector<64x64xf32>
    %add3A_66 = arith.addf %add3A_64, %add3A_65 : vector<64x64xf32>
    %mul3A_67 = arith.constant 2.000000e+00 : f32
    %mul3A_68 = vector.broadcast %mul3A_67 : f32 to vector<64x64xf32>
    %mul3A_69 = arith.mulf %mul3A_68, %dot_general3A_58 : vector<64x64xf32>
    %sub3A_70 = arith.subf %add3A_66, %mul3A_69 : vector<64x64xf32>
    %max3A_71 = arith.constant 0.000000e+00 : f32
    %max3A_72 = vector.broadcast %max3A_71 : f32 to vector<64x64xf32>
    %max3A_73 = arith.maximumf %sub3A_70, %max3A_72 : vector<64x64xf32>
    %jit3A_74 = arith.constant 0x7F800000 : f32
    %broadcast_in_dim3A_75 = vector.broadcast %jit3A_74 : f32 to vector<64x64xf32>
    %select_n3A_76 = arith.select %eq3A, %broadcast_in_dim3A_75, %max3A_73 : vector<64x64xi1>, vector<64x64xf32>
    %sqrt3A_77 = math.sqrt %select_n3A_76 : vector<64x64xf32>
    %reduce_min3A_78 = arith.constant dense<0x7F800000> : vector<64xf32>
    %reduce_min3A_79 = vector.multi_reduction <minimumf>, %sqrt3A_77, %reduce_min3A_78 [1] : vector<64x64xf32> to vector<64xf32>
    %sub3A_80 = arith.constant 1.000000e+01 : f32
    %sub3A_81 = vector.broadcast %sub3A_80 : f32 to vector<64xf32>
    %sub3A_82 = arith.subf %sub3A_81, %reduce_min3A_79 : vector<64xf32>
    %max3A_83 = arith.constant 0.000000e+00 : f32
    %max3A_84 = vector.broadcast %max3A_83 : f32 to vector<64xf32>
    %max3A_85 = arith.maximumf %max3A_84, %sub3A_82 : vector<64xf32>
    %reduce_sum3A_86 = vector.shape_cast %max3A_85 : vector<64xf32> to vector<1x64xf32>
    %reduce_sum3A_87 = arith.constant dense<0.000000e+00> : vector<1xf32>
    %reduce_sum3A_88 = vector.multi_reduction <add>, %reduce_sum3A_86, %reduce_sum3A_87 [1] : vector<1x64xf32> to vector<1xf32>
    %reduce_sum3A_89 = vector.shape_cast %reduce_sum3A_88 : vector<1xf32> to vector<1x1xf32>
    %reduce_sum3A_90 = vector.extract %reduce_sum3A_89[0, 0] : f32 from vector<1x1xf32>
    %add3A_91 = arith.addf %add3A_41, %reduce_sum3A_90 : f32
    %get3A_92 = arith.constant 128 : index
    %get3A_93 = arith.constant 0 : index
    %get3A_94 = vector.load %arg1[%get3A_92, %get3A_93] : memref<512x128xf32, #tpu.memory_space<vmem>>, vector<64x128xf32>
    %mul3A_95 = arith.mulf %get3A_94, %get3A_94 : vector<64x128xf32>
    %reduce_sum3A_96 = arith.constant dense<0.000000e+00> : vector<64xf32>
    %reduce_sum3A_97 = vector.multi_reduction <add>, %mul3A_95, %reduce_sum3A_96 [1] : vector<64x128xf32> to vector<64xf32>
    %broadcast_in_dim3A_98 = vector.shape_cast %reduce_sum3A_97 : vector<64xf32> to vector<64x1xf32>
    %sqrt3A_99 = math.sqrt %broadcast_in_dim3A_98 : vector<64x1xf32>
    %max3A_100 = arith.constant 9.99999996E-13 : f32
    %max3A_101 = vector.broadcast %max3A_100 : f32 to vector<64x1xf32>
    %max3A_102 = arith.maximumf %sqrt3A_99, %max3A_101 : vector<64x1xf32>
    %div3A_103 = vector.broadcast %get3A_1 : f32 to vector<64x1xf32>
    %div3A_104 = arith.divf %div3A_103, %max3A_102 : vector<64x1xf32>
    %mul3A_105 = vector.broadcast %div3A_104 : vector<64x1xf32> to vector<64x128xf32>
    %mul3A_106 = arith.mulf %get3A_94, %mul3A_105 : vector<64x128xf32>
    %dot_general3A_107 = arith.constant dense<0.000000e+00> : vector<64x64xf32>
    %dot_general3A_108 = tpu.matmul %mul3A_106, %mul3A_106, %dot_general3A_107 {dimension_numbers = #tpu.dot_dimension_numbers<[1], [1], [0], [0], [0, 0, 1, 0], [], []>, precision = #tpu.contract_precision<fp32>, transpose_lhs_hint = false} : vector<64x128xf32>, vector<64x128xf32>, vector<64x64xf32> -> vector<64x64xf32>
    %mul3A_109 = arith.mulf %mul3A_106, %mul3A_106 : vector<64x128xf32>
    %reduce_sum3A_110 = arith.constant dense<0.000000e+00> : vector<64xf32>
    %reduce_sum3A_111 = vector.multi_reduction <add>, %mul3A_109, %reduce_sum3A_110 [1] : vector<64x128xf32> to vector<64xf32>
    %broadcast_in_dim3A_112 = vector.shape_cast %reduce_sum3A_111 : vector<64xf32> to vector<64x1xf32>
    %broadcast_in_dim3A_113 = vector.shape_cast %reduce_sum3A_111 : vector<64xf32> to vector<1x64xf32>
    %add3A_114 = vector.broadcast %broadcast_in_dim3A_112 : vector<64x1xf32> to vector<64x64xf32>
    %add3A_115 = vector.broadcast %broadcast_in_dim3A_113 : vector<1x64xf32> to vector<64x64xf32>
    %add3A_116 = arith.addf %add3A_114, %add3A_115 : vector<64x64xf32>
    %mul3A_117 = arith.constant 2.000000e+00 : f32
    %mul3A_118 = vector.broadcast %mul3A_117 : f32 to vector<64x64xf32>
    %mul3A_119 = arith.mulf %mul3A_118, %dot_general3A_108 : vector<64x64xf32>
    %sub3A_120 = arith.subf %add3A_116, %mul3A_119 : vector<64x64xf32>
    %max3A_121 = arith.constant 0.000000e+00 : f32
    %max3A_122 = vector.broadcast %max3A_121 : f32 to vector<64x64xf32>
    %max3A_123 = arith.maximumf %sub3A_120, %max3A_122 : vector<64x64xf32>
    %jit3A_124 = arith.constant 0x7F800000 : f32
    %broadcast_in_dim3A_125 = vector.broadcast %jit3A_124 : f32 to vector<64x64xf32>
    %select_n3A_126 = arith.select %eq3A, %broadcast_in_dim3A_125, %max3A_123 : vector<64x64xi1>, vector<64x64xf32>
    %sqrt3A_127 = math.sqrt %select_n3A_126 : vector<64x64xf32>
    %reduce_min3A_128 = arith.constant dense<0x7F800000> : vector<64xf32>
    %reduce_min3A_129 = vector.multi_reduction <minimumf>, %sqrt3A_127, %reduce_min3A_128 [1] : vector<64x64xf32> to vector<64xf32>
    %sub3A_130 = arith.constant 1.000000e+01 : f32
    %sub3A_131 = vector.broadcast %sub3A_130 : f32 to vector<64xf32>
    %sub3A_132 = arith.subf %sub3A_131, %reduce_min3A_129 : vector<64xf32>
    %max3A_133 = arith.constant 0.000000e+00 : f32
    %max3A_134 = vector.broadcast %max3A_133 : f32 to vector<64xf32>
    %max3A_135 = arith.maximumf %max3A_134, %sub3A_132 : vector<64xf32>
    %reduce_sum3A_136 = vector.shape_cast %max3A_135 : vector<64xf32> to vector<1x64xf32>
    %reduce_sum3A_137 = arith.constant dense<0.000000e+00> : vector<1xf32>
    %reduce_sum3A_138 = vector.multi_reduction <add>, %reduce_sum3A_136, %reduce_sum3A_137 [1] : vector<1x64xf32> to vector<1xf32>
    %reduce_sum3A_139 = vector.shape_cast %reduce_sum3A_138 : vector<1xf32> to vector<1x1xf32>
    %reduce_sum3A_140 = vector.extract %reduce_sum3A_139[0, 0] : f32 from vector<1x1xf32>
    %add3A_141 = arith.addf %add3A_91, %reduce_sum3A_140 : f32
    %get3A_142 = arith.constant 192 : index
    %get3A_143 = arith.constant 0 : index
    %get3A_144 = vector.load %arg1[%get3A_142, %get3A_143] : memref<512x128xf32, #tpu.memory_space<vmem>>, vector<64x128xf32>
    %mul3A_145 = arith.mulf %get3A_144, %get3A_144 : vector<64x128xf32>
    %reduce_sum3A_146 = arith.constant dense<0.000000e+00> : vector<64xf32>
    %reduce_sum3A_147 = vector.multi_reduction <add>, %mul3A_145, %reduce_sum3A_146 [1] : vector<64x128xf32> to vector<64xf32>
    %broadcast_in_dim3A_148 = vector.shape_cast %reduce_sum3A_147 : vector<64xf32> to vector<64x1xf32>
    %sqrt3A_149 = math.sqrt %broadcast_in_dim3A_148 : vector<64x1xf32>
    %max3A_150 = arith.constant 9.99999996E-13 : f32
    %max3A_151 = vector.broadcast %max3A_150 : f32 to vector<64x1xf32>
    %max3A_152 = arith.maximumf %sqrt3A_149, %max3A_151 : vector<64x1xf32>
    %div3A_153 = vector.broadcast %get3A_1 : f32 to vector<64x1xf32>
    %div3A_154 = arith.divf %div3A_153, %max3A_152 : vector<64x1xf32>
    %mul3A_155 = vector.broadcast %div3A_154 : vector<64x1xf32> to vector<64x128xf32>
    %mul3A_156 = arith.mulf %get3A_144, %mul3A_155 : vector<64x128xf32>
    %dot_general3A_157 = arith.constant dense<0.000000e+00> : vector<64x64xf32>
    %dot_general3A_158 = tpu.matmul %mul3A_156, %mul3A_156, %dot_general3A_157 {dimension_numbers = #tpu.dot_dimension_numbers<[1], [1], [0], [0], [0, 0, 1, 0], [], []>, precision = #tpu.contract_precision<fp32>, transpose_lhs_hint = false} : vector<64x128xf32>, vector<64x128xf32>, vector<64x64xf32> -> vector<64x64xf32>
    %mul3A_159 = arith.mulf %mul3A_156, %mul3A_156 : vector<64x128xf32>
    %reduce_sum3A_160 = arith.constant dense<0.000000e+00> : vector<64xf32>
    %reduce_sum3A_161 = vector.multi_reduction <add>, %mul3A_159, %reduce_sum3A_160 [1] : vector<64x128xf32> to vector<64xf32>
    %broadcast_in_dim3A_162 = vector.shape_cast %reduce_sum3A_161 : vector<64xf32> to vector<64x1xf32>
    %broadcast_in_dim3A_163 = vector.shape_cast %reduce_sum3A_161 : vector<64xf32> to vector<1x64xf32>
    %add3A_164 = vector.broadcast %broadcast_in_dim3A_162 : vector<64x1xf32> to vector<64x64xf32>
    %add3A_165 = vector.broadcast %broadcast_in_dim3A_163 : vector<1x64xf32> to vector<64x64xf32>
    %add3A_166 = arith.addf %add3A_164, %add3A_165 : vector<64x64xf32>
    %mul3A_167 = arith.constant 2.000000e+00 : f32
    %mul3A_168 = vector.broadcast %mul3A_167 : f32 to vector<64x64xf32>
    %mul3A_169 = arith.mulf %mul3A_168, %dot_general3A_158 : vector<64x64xf32>
    %sub3A_170 = arith.subf %add3A_166, %mul3A_169 : vector<64x64xf32>
    %max3A_171 = arith.constant 0.000000e+00 : f32
    %max3A_172 = vector.broadcast %max3A_171 : f32 to vector<64x64xf32>
    %max3A_173 = arith.maximumf %sub3A_170, %max3A_172 : vector<64x64xf32>
    %jit3A_174 = arith.constant 0x7F800000 : f32
    %broadcast_in_dim3A_175 = vector.broadcast %jit3A_174 : f32 to vector<64x64xf32>
    %select_n3A_176 = arith.select %eq3A, %broadcast_in_dim3A_175, %max3A_173 : vector<64x64xi1>, vector<64x64xf32>
    %sqrt3A_177 = math.sqrt %select_n3A_176 : vector<64x64xf32>
    %reduce_min3A_178 = arith.constant dense<0x7F800000> : vector<64xf32>
    %reduce_min3A_179 = vector.multi_reduction <minimumf>, %sqrt3A_177, %reduce_min3A_178 [1] : vector<64x64xf32> to vector<64xf32>
    %sub3A_180 = arith.constant 1.000000e+01 : f32
    %sub3A_181 = vector.broadcast %sub3A_180 : f32 to vector<64xf32>
    %sub3A_182 = arith.subf %sub3A_181, %reduce_min3A_179 : vector<64xf32>
    %max3A_183 = arith.constant 0.000000e+00 : f32
    %max3A_184 = vector.broadcast %max3A_183 : f32 to vector<64xf32>
    %max3A_185 = arith.maximumf %max3A_184, %sub3A_182 : vector<64xf32>
    %reduce_sum3A_186 = vector.shape_cast %max3A_185 : vector<64xf32> to vector<1x64xf32>
    %reduce_sum3A_187 = arith.constant dense<0.000000e+00> : vector<1xf32>
    %reduce_sum3A_188 = vector.multi_reduction <add>, %reduce_sum3A_186, %reduce_sum3A_187 [1] : vector<1x64xf32> to vector<1xf32>
    %reduce_sum3A_189 = vector.shape_cast %reduce_sum3A_188 : vector<1xf32> to vector<1x1xf32>
    %reduce_sum3A_190 = vector.extract %reduce_sum3A_189[0, 0] : f32 from vector<1x1xf32>
    %add3A_191 = arith.addf %add3A_141, %reduce_sum3A_190 : f32
    %get3A_192 = arith.constant 256 : index
    %get3A_193 = arith.constant 0 : index
    %get3A_194 = vector.load %arg1[%get3A_192, %get3A_193] : memref<512x128xf32, #tpu.memory_space<vmem>>, vector<64x128xf32>
    %mul3A_195 = arith.mulf %get3A_194, %get3A_194 : vector<64x128xf32>
    %reduce_sum3A_196 = arith.constant dense<0.000000e+00> : vector<64xf32>
    %reduce_sum3A_197 = vector.multi_reduction <add>, %mul3A_195, %reduce_sum3A_196 [1] : vector<64x128xf32> to vector<64xf32>
    %broadcast_in_dim3A_198 = vector.shape_cast %reduce_sum3A_197 : vector<64xf32> to vector<64x1xf32>
    %sqrt3A_199 = math.sqrt %broadcast_in_dim3A_198 : vector<64x1xf32>
    %max3A_200 = arith.constant 9.99999996E-13 : f32
    %max3A_201 = vector.broadcast %max3A_200 : f32 to vector<64x1xf32>
    %max3A_202 = arith.maximumf %sqrt3A_199, %max3A_201 : vector<64x1xf32>
    %div3A_203 = vector.broadcast %get3A_1 : f32 to vector<64x1xf32>
    %div3A_204 = arith.divf %div3A_203, %max3A_202 : vector<64x1xf32>
    %mul3A_205 = vector.broadcast %div3A_204 : vector<64x1xf32> to vector<64x128xf32>
    %mul3A_206 = arith.mulf %get3A_194, %mul3A_205 : vector<64x128xf32>
    %dot_general3A_207 = arith.constant dense<0.000000e+00> : vector<64x64xf32>
    %dot_general3A_208 = tpu.matmul %mul3A_206, %mul3A_206, %dot_general3A_207 {dimension_numbers = #tpu.dot_dimension_numbers<[1], [1], [0], [0], [0, 0, 1, 0], [], []>, precision = #tpu.contract_precision<fp32>, transpose_lhs_hint = false} : vector<64x128xf32>, vector<64x128xf32>, vector<64x64xf32> -> vector<64x64xf32>
    %mul3A_209 = arith.mulf %mul3A_206, %mul3A_206 : vector<64x128xf32>
    %reduce_sum3A_210 = arith.constant dense<0.000000e+00> : vector<64xf32>
    %reduce_sum3A_211 = vector.multi_reduction <add>, %mul3A_209, %reduce_sum3A_210 [1] : vector<64x128xf32> to vector<64xf32>
    %broadcast_in_dim3A_212 = vector.shape_cast %reduce_sum3A_211 : vector<64xf32> to vector<64x1xf32>
    %broadcast_in_dim3A_213 = vector.shape_cast %reduce_sum3A_211 : vector<64xf32> to vector<1x64xf32>
    %add3A_214 = vector.broadcast %broadcast_in_dim3A_212 : vector<64x1xf32> to vector<64x64xf32>
    %add3A_215 = vector.broadcast %broadcast_in_dim3A_213 : vector<1x64xf32> to vector<64x64xf32>
    %add3A_216 = arith.addf %add3A_214, %add3A_215 : vector<64x64xf32>
    %mul3A_217 = arith.constant 2.000000e+00 : f32
    %mul3A_218 = vector.broadcast %mul3A_217 : f32 to vector<64x64xf32>
    %mul3A_219 = arith.mulf %mul3A_218, %dot_general3A_208 : vector<64x64xf32>
    %sub3A_220 = arith.subf %add3A_216, %mul3A_219 : vector<64x64xf32>
    %max3A_221 = arith.constant 0.000000e+00 : f32
    %max3A_222 = vector.broadcast %max3A_221 : f32 to vector<64x64xf32>
    %max3A_223 = arith.maximumf %sub3A_220, %max3A_222 : vector<64x64xf32>
    %jit3A_224 = arith.constant 0x7F800000 : f32
    %broadcast_in_dim3A_225 = vector.broadcast %jit3A_224 : f32 to vector<64x64xf32>
    %select_n3A_226 = arith.select %eq3A, %broadcast_in_dim3A_225, %max3A_223 : vector<64x64xi1>, vector<64x64xf32>
    %sqrt3A_227 = math.sqrt %select_n3A_226 : vector<64x64xf32>
    %reduce_min3A_228 = arith.constant dense<0x7F800000> : vector<64xf32>
    %reduce_min3A_229 = vector.multi_reduction <minimumf>, %sqrt3A_227, %reduce_min3A_228 [1] : vector<64x64xf32> to vector<64xf32>
    %sub3A_230 = arith.constant 1.000000e+01 : f32
    %sub3A_231 = vector.broadcast %sub3A_230 : f32 to vector<64xf32>
    %sub3A_232 = arith.subf %sub3A_231, %reduce_min3A_229 : vector<64xf32>
    %max3A_233 = arith.constant 0.000000e+00 : f32
    %max3A_234 = vector.broadcast %max3A_233 : f32 to vector<64xf32>
    %max3A_235 = arith.maximumf %max3A_234, %sub3A_232 : vector<64xf32>
    %reduce_sum3A_236 = vector.shape_cast %max3A_235 : vector<64xf32> to vector<1x64xf32>
    %reduce_sum3A_237 = arith.constant dense<0.000000e+00> : vector<1xf32>
    %reduce_sum3A_238 = vector.multi_reduction <add>, %reduce_sum3A_236, %reduce_sum3A_237 [1] : vector<1x64xf32> to vector<1xf32>
    %reduce_sum3A_239 = vector.shape_cast %reduce_sum3A_238 : vector<1xf32> to vector<1x1xf32>
    %reduce_sum3A_240 = vector.extract %reduce_sum3A_239[0, 0] : f32 from vector<1x1xf32>
    %add3A_241 = arith.addf %add3A_191, %reduce_sum3A_240 : f32
    %get3A_242 = arith.constant 320 : index
    %get3A_243 = arith.constant 0 : index
    %get3A_244 = vector.load %arg1[%get3A_242, %get3A_243] : memref<512x128xf32, #tpu.memory_space<vmem>>, vector<64x128xf32>
    %mul3A_245 = arith.mulf %get3A_244, %get3A_244 : vector<64x128xf32>
    %reduce_sum3A_246 = arith.constant dense<0.000000e+00> : vector<64xf32>
    %reduce_sum3A_247 = vector.multi_reduction <add>, %mul3A_245, %reduce_sum3A_246 [1] : vector<64x128xf32> to vector<64xf32>
    %broadcast_in_dim3A_248 = vector.shape_cast %reduce_sum3A_247 : vector<64xf32> to vector<64x1xf32>
    %sqrt3A_249 = math.sqrt %broadcast_in_dim3A_248 : vector<64x1xf32>
    %max3A_250 = arith.constant 9.99999996E-13 : f32
    %max3A_251 = vector.broadcast %max3A_250 : f32 to vector<64x1xf32>
    %max3A_252 = arith.maximumf %sqrt3A_249, %max3A_251 : vector<64x1xf32>
    %div3A_253 = vector.broadcast %get3A_1 : f32 to vector<64x1xf32>
    %div3A_254 = arith.divf %div3A_253, %max3A_252 : vector<64x1xf32>
    %mul3A_255 = vector.broadcast %div3A_254 : vector<64x1xf32> to vector<64x128xf32>
    %mul3A_256 = arith.mulf %get3A_244, %mul3A_255 : vector<64x128xf32>
    %dot_general3A_257 = arith.constant dense<0.000000e+00> : vector<64x64xf32>
    %dot_general3A_258 = tpu.matmul %mul3A_256, %mul3A_256, %dot_general3A_257 {dimension_numbers = #tpu.dot_dimension_numbers<[1], [1], [0], [0], [0, 0, 1, 0], [], []>, precision = #tpu.contract_precision<fp32>, transpose_lhs_hint = false} : vector<64x128xf32>, vector<64x128xf32>, vector<64x64xf32> -> vector<64x64xf32>
    %mul3A_259 = arith.mulf %mul3A_256, %mul3A_256 : vector<64x128xf32>
    %reduce_sum3A_260 = arith.constant dense<0.000000e+00> : vector<64xf32>
    %reduce_sum3A_261 = vector.multi_reduction <add>, %mul3A_259, %reduce_sum3A_260 [1] : vector<64x128xf32> to vector<64xf32>
    %broadcast_in_dim3A_262 = vector.shape_cast %reduce_sum3A_261 : vector<64xf32> to vector<64x1xf32>
    %broadcast_in_dim3A_263 = vector.shape_cast %reduce_sum3A_261 : vector<64xf32> to vector<1x64xf32>
    %add3A_264 = vector.broadcast %broadcast_in_dim3A_262 : vector<64x1xf32> to vector<64x64xf32>
    %add3A_265 = vector.broadcast %broadcast_in_dim3A_263 : vector<1x64xf32> to vector<64x64xf32>
    %add3A_266 = arith.addf %add3A_264, %add3A_265 : vector<64x64xf32>
    %mul3A_267 = arith.constant 2.000000e+00 : f32
    %mul3A_268 = vector.broadcast %mul3A_267 : f32 to vector<64x64xf32>
    %mul3A_269 = arith.mulf %mul3A_268, %dot_general3A_258 : vector<64x64xf32>
    %sub3A_270 = arith.subf %add3A_266, %mul3A_269 : vector<64x64xf32>
    %max3A_271 = arith.constant 0.000000e+00 : f32
    %max3A_272 = vector.broadcast %max3A_271 : f32 to vector<64x64xf32>
    %max3A_273 = arith.maximumf %sub3A_270, %max3A_272 : vector<64x64xf32>
    %jit3A_274 = arith.constant 0x7F800000 : f32
    %broadcast_in_dim3A_275 = vector.broadcast %jit3A_274 : f32 to vector<64x64xf32>
    %select_n3A_276 = arith.select %eq3A, %broadcast_in_dim3A_275, %max3A_273 : vector<64x64xi1>, vector<64x64xf32>
    %sqrt3A_277 = math.sqrt %select_n3A_276 : vector<64x64xf32>
    %reduce_min3A_278 = arith.constant dense<0x7F800000> : vector<64xf32>
    %reduce_min3A_279 = vector.multi_reduction <minimumf>, %sqrt3A_277, %reduce_min3A_278 [1] : vector<64x64xf32> to vector<64xf32>
    %sub3A_280 = arith.constant 1.000000e+01 : f32
    %sub3A_281 = vector.broadcast %sub3A_280 : f32 to vector<64xf32>
    %sub3A_282 = arith.subf %sub3A_281, %reduce_min3A_279 : vector<64xf32>
    %max3A_283 = arith.constant 0.000000e+00 : f32
    %max3A_284 = vector.broadcast %max3A_283 : f32 to vector<64xf32>
    %max3A_285 = arith.maximumf %max3A_284, %sub3A_282 : vector<64xf32>
    %reduce_sum3A_286 = vector.shape_cast %max3A_285 : vector<64xf32> to vector<1x64xf32>
    %reduce_sum3A_287 = arith.constant dense<0.000000e+00> : vector<1xf32>
    %reduce_sum3A_288 = vector.multi_reduction <add>, %reduce_sum3A_286, %reduce_sum3A_287 [1] : vector<1x64xf32> to vector<1xf32>
    %reduce_sum3A_289 = vector.shape_cast %reduce_sum3A_288 : vector<1xf32> to vector<1x1xf32>
    %reduce_sum3A_290 = vector.extract %reduce_sum3A_289[0, 0] : f32 from vector<1x1xf32>
    %add3A_291 = arith.addf %add3A_241, %reduce_sum3A_290 : f32
    %get3A_292 = arith.constant 384 : index
    %get3A_293 = arith.constant 0 : index
    %get3A_294 = vector.load %arg1[%get3A_292, %get3A_293] : memref<512x128xf32, #tpu.memory_space<vmem>>, vector<64x128xf32>
    %mul3A_295 = arith.mulf %get3A_294, %get3A_294 : vector<64x128xf32>
    %reduce_sum3A_296 = arith.constant dense<0.000000e+00> : vector<64xf32>
    %reduce_sum3A_297 = vector.multi_reduction <add>, %mul3A_295, %reduce_sum3A_296 [1] : vector<64x128xf32> to vector<64xf32>
    %broadcast_in_dim3A_298 = vector.shape_cast %reduce_sum3A_297 : vector<64xf32> to vector<64x1xf32>
    %sqrt3A_299 = math.sqrt %broadcast_in_dim3A_298 : vector<64x1xf32>
    %max3A_300 = arith.constant 9.99999996E-13 : f32
    %max3A_301 = vector.broadcast %max3A_300 : f32 to vector<64x1xf32>
    %max3A_302 = arith.maximumf %sqrt3A_299, %max3A_301 : vector<64x1xf32>
    %div3A_303 = vector.broadcast %get3A_1 : f32 to vector<64x1xf32>
    %div3A_304 = arith.divf %div3A_303, %max3A_302 : vector<64x1xf32>
    %mul3A_305 = vector.broadcast %div3A_304 : vector<64x1xf32> to vector<64x128xf32>
    %mul3A_306 = arith.mulf %get3A_294, %mul3A_305 : vector<64x128xf32>
    %dot_general3A_307 = arith.constant dense<0.000000e+00> : vector<64x64xf32>
    %dot_general3A_308 = tpu.matmul %mul3A_306, %mul3A_306, %dot_general3A_307 {dimension_numbers = #tpu.dot_dimension_numbers<[1], [1], [0], [0], [0, 0, 1, 0], [], []>, precision = #tpu.contract_precision<fp32>, transpose_lhs_hint = false} : vector<64x128xf32>, vector<64x128xf32>, vector<64x64xf32> -> vector<64x64xf32>
    %mul3A_309 = arith.mulf %mul3A_306, %mul3A_306 : vector<64x128xf32>
    %reduce_sum3A_310 = arith.constant dense<0.000000e+00> : vector<64xf32>
    %reduce_sum3A_311 = vector.multi_reduction <add>, %mul3A_309, %reduce_sum3A_310 [1] : vector<64x128xf32> to vector<64xf32>
    %broadcast_in_dim3A_312 = vector.shape_cast %reduce_sum3A_311 : vector<64xf32> to vector<64x1xf32>
    %broadcast_in_dim3A_313 = vector.shape_cast %reduce_sum3A_311 : vector<64xf32> to vector<1x64xf32>
    %add3A_314 = vector.broadcast %broadcast_in_dim3A_312 : vector<64x1xf32> to vector<64x64xf32>
    %add3A_315 = vector.broadcast %broadcast_in_dim3A_313 : vector<1x64xf32> to vector<64x64xf32>
    %add3A_316 = arith.addf %add3A_314, %add3A_315 : vector<64x64xf32>
    %mul3A_317 = arith.constant 2.000000e+00 : f32
    %mul3A_318 = vector.broadcast %mul3A_317 : f32 to vector<64x64xf32>
    %mul3A_319 = arith.mulf %mul3A_318, %dot_general3A_308 : vector<64x64xf32>
    %sub3A_320 = arith.subf %add3A_316, %mul3A_319 : vector<64x64xf32>
    %max3A_321 = arith.constant 0.000000e+00 : f32
    %max3A_322 = vector.broadcast %max3A_321 : f32 to vector<64x64xf32>
    %max3A_323 = arith.maximumf %sub3A_320, %max3A_322 : vector<64x64xf32>
    %jit3A_324 = arith.constant 0x7F800000 : f32
    %broadcast_in_dim3A_325 = vector.broadcast %jit3A_324 : f32 to vector<64x64xf32>
    %select_n3A_326 = arith.select %eq3A, %broadcast_in_dim3A_325, %max3A_323 : vector<64x64xi1>, vector<64x64xf32>
    %sqrt3A_327 = math.sqrt %select_n3A_326 : vector<64x64xf32>
    %reduce_min3A_328 = arith.constant dense<0x7F800000> : vector<64xf32>
    %reduce_min3A_329 = vector.multi_reduction <minimumf>, %sqrt3A_327, %reduce_min3A_328 [1] : vector<64x64xf32> to vector<64xf32>
    %sub3A_330 = arith.constant 1.000000e+01 : f32
    %sub3A_331 = vector.broadcast %sub3A_330 : f32 to vector<64xf32>
    %sub3A_332 = arith.subf %sub3A_331, %reduce_min3A_329 : vector<64xf32>
    %max3A_333 = arith.constant 0.000000e+00 : f32
    %max3A_334 = vector.broadcast %max3A_333 : f32 to vector<64xf32>
    %max3A_335 = arith.maximumf %max3A_334, %sub3A_332 : vector<64xf32>
    %reduce_sum3A_336 = vector.shape_cast %max3A_335 : vector<64xf32> to vector<1x64xf32>
    %reduce_sum3A_337 = arith.constant dense<0.000000e+00> : vector<1xf32>
    %reduce_sum3A_338 = vector.multi_reduction <add>, %reduce_sum3A_336, %reduce_sum3A_337 [1] : vector<1x64xf32> to vector<1xf32>
    %reduce_sum3A_339 = vector.shape_cast %reduce_sum3A_338 : vector<1xf32> to vector<1x1xf32>
    %reduce_sum3A_340 = vector.extract %reduce_sum3A_339[0, 0] : f32 from vector<1x1xf32>
    %add3A_341 = arith.addf %add3A_291, %reduce_sum3A_340 : f32
    %get3A_342 = arith.constant 448 : index
    %get3A_343 = arith.constant 0 : index
    %get3A_344 = vector.load %arg1[%get3A_342, %get3A_343] : memref<512x128xf32, #tpu.memory_space<vmem>>, vector<64x128xf32>
    %mul3A_345 = arith.mulf %get3A_344, %get3A_344 : vector<64x128xf32>
    %reduce_sum3A_346 = arith.constant dense<0.000000e+00> : vector<64xf32>
    %reduce_sum3A_347 = vector.multi_reduction <add>, %mul3A_345, %reduce_sum3A_346 [1] : vector<64x128xf32> to vector<64xf32>
    %broadcast_in_dim3A_348 = vector.shape_cast %reduce_sum3A_347 : vector<64xf32> to vector<64x1xf32>
    %sqrt3A_349 = math.sqrt %broadcast_in_dim3A_348 : vector<64x1xf32>
    %max3A_350 = arith.constant 9.99999996E-13 : f32
    %max3A_351 = vector.broadcast %max3A_350 : f32 to vector<64x1xf32>
    %max3A_352 = arith.maximumf %sqrt3A_349, %max3A_351 : vector<64x1xf32>
    %div3A_353 = vector.broadcast %get3A_1 : f32 to vector<64x1xf32>
    %div3A_354 = arith.divf %div3A_353, %max3A_352 : vector<64x1xf32>
    %mul3A_355 = vector.broadcast %div3A_354 : vector<64x1xf32> to vector<64x128xf32>
    %mul3A_356 = arith.mulf %get3A_344, %mul3A_355 : vector<64x128xf32>
    %dot_general3A_357 = arith.constant dense<0.000000e+00> : vector<64x64xf32>
    %dot_general3A_358 = tpu.matmul %mul3A_356, %mul3A_356, %dot_general3A_357 {dimension_numbers = #tpu.dot_dimension_numbers<[1], [1], [0], [0], [0, 0, 1, 0], [], []>, precision = #tpu.contract_precision<fp32>, transpose_lhs_hint = false} : vector<64x128xf32>, vector<64x128xf32>, vector<64x64xf32> -> vector<64x64xf32>
    %mul3A_359 = arith.mulf %mul3A_356, %mul3A_356 : vector<64x128xf32>
    %reduce_sum3A_360 = arith.constant dense<0.000000e+00> : vector<64xf32>
    %reduce_sum3A_361 = vector.multi_reduction <add>, %mul3A_359, %reduce_sum3A_360 [1] : vector<64x128xf32> to vector<64xf32>
    %broadcast_in_dim3A_362 = vector.shape_cast %reduce_sum3A_361 : vector<64xf32> to vector<64x1xf32>
    %broadcast_in_dim3A_363 = vector.shape_cast %reduce_sum3A_361 : vector<64xf32> to vector<1x64xf32>
    %add3A_364 = vector.broadcast %broadcast_in_dim3A_362 : vector<64x1xf32> to vector<64x64xf32>
    %add3A_365 = vector.broadcast %broadcast_in_dim3A_363 : vector<1x64xf32> to vector<64x64xf32>
    %add3A_366 = arith.addf %add3A_364, %add3A_365 : vector<64x64xf32>
    %mul3A_367 = arith.constant 2.000000e+00 : f32
    %mul3A_368 = vector.broadcast %mul3A_367 : f32 to vector<64x64xf32>
    %mul3A_369 = arith.mulf %mul3A_368, %dot_general3A_358 : vector<64x64xf32>
    %sub3A_370 = arith.subf %add3A_366, %mul3A_369 : vector<64x64xf32>
    %max3A_371 = arith.constant 0.000000e+00 : f32
    %max3A_372 = vector.broadcast %max3A_371 : f32 to vector<64x64xf32>
    %max3A_373 = arith.maximumf %sub3A_370, %max3A_372 : vector<64x64xf32>
    %jit3A_374 = arith.constant 0x7F800000 : f32
    %broadcast_in_dim3A_375 = vector.broadcast %jit3A_374 : f32 to vector<64x64xf32>
    %select_n3A_376 = arith.select %eq3A, %broadcast_in_dim3A_375, %max3A_373 : vector<64x64xi1>, vector<64x64xf32>
    %sqrt3A_377 = math.sqrt %select_n3A_376 : vector<64x64xf32>
    %reduce_min3A_378 = arith.constant dense<0x7F800000> : vector<64xf32>
    %reduce_min3A_379 = vector.multi_reduction <minimumf>, %sqrt3A_377, %reduce_min3A_378 [1] : vector<64x64xf32> to vector<64xf32>
    %sub3A_380 = arith.constant 1.000000e+01 : f32
    %sub3A_381 = vector.broadcast %sub3A_380 : f32 to vector<64xf32>
    %sub3A_382 = arith.subf %sub3A_381, %reduce_min3A_379 : vector<64xf32>
    %max3A_383 = arith.constant 0.000000e+00 : f32
    %max3A_384 = vector.broadcast %max3A_383 : f32 to vector<64xf32>
    %max3A_385 = arith.maximumf %max3A_384, %sub3A_382 : vector<64xf32>
    %reduce_sum3A_386 = vector.shape_cast %max3A_385 : vector<64xf32> to vector<1x64xf32>
    %reduce_sum3A_387 = arith.constant dense<0.000000e+00> : vector<1xf32>
    %reduce_sum3A_388 = vector.multi_reduction <add>, %reduce_sum3A_386, %reduce_sum3A_387 [1] : vector<1x64xf32> to vector<1xf32>
    %reduce_sum3A_389 = vector.shape_cast %reduce_sum3A_388 : vector<1xf32> to vector<1x1xf32>
    %reduce_sum3A_390 = vector.extract %reduce_sum3A_389[0, 0] : f32 from vector<1x1xf32>
    %add3A_391 = arith.addf %add3A_341, %reduce_sum3A_390 : f32
    %div3A_392 = arith.constant 5.120000e+02 : f32
    %div3A_393 = arith.divf %add3A_391, %div3A_392 : f32
    %swap3A = arith.constant 0 : index
    %swap3A_394 = arith.constant 0 : index
    %swap3A_395 = memref.load %arg2[%swap3A, %swap3A_394] : memref<1x1xf32, #tpu.memory_space<smem>>
    memref.store %div3A_393, %arg2[%swap3A, %swap3A_394] : memref<1x1xf32, #tpu.memory_space<smem>>
    return
  }
}

</mosaic_0001>

<sc_bundles>
// kernel: kernel.4.cloned.1.call-start
scs
__scs_entry_jumppad:
0x0: {  	(pc) =	sbr.rel $0x88, $3  }
0x1: {  	(tag) =	ssettag $0x0;
	lr =	simm.s32 $0x1  }
0x2: {  	[smem:$0x3F9E] =	sst lr;
	_ =	strace $0xD0000000  }
0x3: {  	_ = 	snop  }
0x4: {  	_ = 	snop  }
0x5: {  	_ = 	snop  }
0x6: {  	_ = 	snop  }
0x7: {  	_ = 	snop  }
__scs_overlays_trampoline_lowered:
0x8: {  	[smem:$0x3FAD] =	sst s0  }
0x9: {  	[smem:$0x3FAE] =	sst s1  }
0xa: {  	[smem:$0x3FAF] =	sst s2  }
0xb: {  	[smem:$0x3FB0] =	sst s3  }
0xc: {  	[smem:$0x3FB1] =	sst s4  }
0xd: {  	[smem:$0x3FB2] =	sst s5  }
0xe: {  	[smem:$0x3FB3] =	sst s6  }
0xf: {  	[smem:$0x3FB4] =	sst s7  }
0x10: {  	[smem:$0x3FB5] =	sst s8  }
0x11: {  	[smem:$0x3FB6] =	sst s9;
	s0 =	simm.s32 @!p0 $0x0  }
0x12: {  	s1 =	sld [smem:$0x3F9C];
	s0 =	simm.s32 @p0 $0x1  }
0x13: {  	[smem:$0x3FB7] =	sst s0;
	s0 =	simm.s32 @!p1 $0x0  }
0x14: {  	s2 =	sld [smem:$0x3F9B];
	s0 =	simm.s32 @p1 $0x1  }
0x15: {  	[smem:$0x3FB8] =	sst s0;
	s0 =	simm.s32 @!p2 $0x0  }
0x16: {  	s3 =	sld [smem:$0x3FDB];
	s0 =	simm.s32 @p2 $0x1  }
0x17: {  	s4 =	simm.s32 $0x1BF5;
	[smem:$0x3FBA] =	sst s0  }
0x18: {  	s0 =	sld [smem:$0x3F9D];
	_ =	swait.ge [sflag:s4], $0x0  }
0x19: {  	s7 =	sld [smem:$0x3F9E]  }
0x1a: {  	s8 =	sadd.s32 $0xFFFFE003, lr  }
0x1b: {  	s9 =	sadd.s32 $0xFFFFFEF7, lr;
	s5 =	simm.s32 $0xFFFFFFFF;
	p2 =	slt.u32 s8, $0xFFFFF086  }
0x1c: {  	p1 =	slt.u32 s9, $0xF7A;
	s5 =	simm.s32 @!p2 $0x0  }
0x1d: {  	s5 =	simm.s32 @p1 $0x1;
	p0 =	seq.s32 s7, s2  }
0x1e: {  	s7 =	smul.u32 @!p0 $0xF7A, s2;
	p2 =	seq.s32 @!p0 s5, $0x0  }
0x1f: {  	s9 =	smul.u32 $0xF7A, s1;
	s8 =	simm.s32 @!p0 $0x1BF5;
	p2 =	por !p2, p0  }
0x20: {  	[sflag:s8] =	ssyncset.s32 @!p0 $0xFFFFF086;
	s6 =	sadd.s32 @!p0 s3, s7;
	s7 =	simm.s32 @!p0 $0x108  }
0x21: {  	s3 =	sadd.s32 s3, s9;
	s6 =	sadd.s32 @!p0 $0x88, s6;
	s7 =	simm.s32 @p2 $0x1082  }
0x22: {  	[simem:s7], [sflag:s8] =	dma.local @!p0 [hbm:s6], $0xF7A  }
0x23: {  	s9 =	sor.u32 $0xD0000000, s2;
	s6 =	simm.s32 $0x108;
	_ =	swait.ge @!p0 [sflag:s8], $0x0  }
0x24: {  	s3 =	sadd.s32 $0x88, s3;
	s6 =	simm.s32 @!p1 $0x1082;
	[sflag:s4] =	ssyncset.s32 $0xFFFFF086  }
0x25: {  	[simem:s6], [sflag:s4] =	dma.local [hbm:s3], $0xF7A  }
0x26: {  	[smem:$0x3F9E] =	sst s1;
	(tag) =	ssettag s2;
	_ =	strace s9  }
0x27: {  	s1 =	sld [smem:$0x3FAE]  }
0x28: {  	s2 =	sld [smem:$0x3FAF]  }
0x29: {  	s4 =	sld [smem:$0x3FB1]  }
0x2a: {  	p0 =	seq.s32 s5, $0x0;
	s5 =	sld [smem:$0x3FB2]  }
0x2b: {  	s6 =	sld [smem:$0x3FB3]  }
0x2c: {  	s7 =	sld [smem:$0x3FB4]  }
0x2d: {  	s3 =	simm.s32 $0x108;
	s8 =	sld [smem:$0x3FB5]  }
0x2e: {  	s3 =	simm.s32 @!p0 $0x1082;
	s9 =	sld [smem:$0x3FB6]  }
0x2f: {  	lr =	sadd.s32 s0, s3;
	s0 =	sld [smem:$0x3FAD]  }
0x30: {  	s3 =	sld [smem:$0x3FB0]  }
0x31: {  	[smem:$0x3FB9] =	sst s10  }
0x32: {  	s10 =	sld [smem:$0x3FB7];
	_ =	sdelay $0x3  }
0x33: {  	p0 =	seq.s32 s10, $0x1;
	s10 =	sld [smem:$0x3FB9];
	_ =	sdelay $0x3  }
0x34: {  	[smem:$0x3FB9] =	sst s10  }
0x35: {  	s10 =	sld [smem:$0x3FB8];
	_ =	sdelay $0x3  }
0x36: {  	p1 =	seq.s32 s10, $0x1;
	s10 =	sld [smem:$0x3FB9];
	_ =	sdelay $0x3  }
0x37: {  	[smem:$0x3FB9] =	sst s10  }
0x38: {  	s10 =	sld [smem:$0x3FBA]  }
0x39: {  	_ = 	snop;
	(pc) =	sbr.ind lr, $3  }
0x3a: {  	_ = 	snop  }
0x3b: {  	_ = 	snop  }
0x3c: {  	p2 =	seq.s32 s10, $0x1;
	s10 =	sld [smem:$0x3FB9]  }
0x3d: {  	_ =	shalt  }
0x3e: {  	_ =	shalt  }
0x3f: {  	_ =	shalt  }
0x40: {  	_ =	shalt  }
0x41: {  	_ =	shalt  }
0x42: {  	_ =	shalt  }
0x43: {  	_ =	shalt  }
0x44: {  	_ =	shalt  }
0x45: {  	_ =	shalt  }
0x46: {  	_ =	shalt  }
0x47: {  	_ =	shalt  }
0x48: {  	_ =	shalt  }
0x49: {  	_ =	shalt  }
0x4a: {  	_ =	shalt  }
0x4b: {  	_ =	shalt  }
0x4c: {  	_ =	shalt  }
0x4d: {  	_ =	shalt  }
0x4e: {  	_ =	shalt  }
0x4f: {  	_ =	shalt  }
0x50: {  	_ =	shalt  }
0x51: {  	_ =	shalt  }
0x52: {  	_ =	shalt  }
0x53: {  	_ =	shalt  }
0x54: {  	_ =	shalt  }
0x55: {  	_ =	shalt  }
0x56: {  	_ =	shalt  }
0x57: {  	_ =	shalt  }
0x58: {  	_ =	shalt  }
0x59: {  	_ =	shalt  }
0x5a: {  	_ =	shalt  }
0x5b: {  	_ =	shalt  }
0x5c: {  	_ =	shalt  }
0x5d: {  	_ =	shalt  }
0x5e: {  	_ =	shalt  }
0x5f: {  	_ =	shalt  }
0x60: {  	_ =	shalt  }
0x61: {  	_ =	shalt  }
0x62: {  	_ =	shalt  }
0x63: {  	_ =	shalt  }
0x64: {  	_ =	shalt  }
0x65: {  	_ =	shalt  }
0x66: {  	_ =	shalt  }
0x67: {  	_ =	shalt  }
0x68: {  	_ =	shalt  }
0x69: {  	_ =	shalt  }
0x6a: {  	_ =	shalt  }
0x6b: {  	_ =	shalt  }
0x6c: {  	_ =	shalt  }
0x6d: {  	_ =	shalt  }
0x6e: {  	_ =	shalt  }
0x6f: {  	_ =	shalt  }
0x70: {  	_ =	shalt  }
0x71: {  	_ =	shalt  }
0x72: {  	_ =	shalt  }
0x73: {  	_ =	shalt  }
0x74: {  	_ =	shalt  }
0x75: {  	_ =	shalt  }
0x76: {  	_ =	shalt  }
0x77: {  	_ =	shalt  }
0x78: {  	_ =	shalt  }
0x79: {  	_ =	shalt  }
0x7a: {  	_ =	shalt  }
0x7b: {  	_ =	shalt  }
0x7c: {  	_ =	shalt  }
0x7d: {  	_ =	shalt  }
0x7e: {  	_ =	shalt  }
0x7f: {  	_ =	shalt  }
0x80: {  	_ =	shalt  }
0x81: {  	_ =	shalt  }
0x82: {  	_ =	shalt  }
0x83: {  	_ =	shalt  }
0x84: {  	_ =	shalt  }
0x85: {  	_ =	shalt  }
0x86: {  	_ =	shalt  }
0x87: {  	_ =	shalt  }
.Lfunc_end0:
.L_simem_size_0:
called_computation_lowered:
.L_overlay_start_0:
0x88: {  	s0 =	sld [smem:$0x3FD9]  }
0x89: {  	s1 =	sld [smem:$0x3FFE];
	_ =	sdelay $0x3  }
0x8a: {  	s0 =	sadd.s32 s1, s0  }
0x8b: {  	[smem:$0x3FC5] =	sst s0  }
0x8c: {  	_ = 	snop  }
0x8d: {  	s0 =	sld [smem:$0x3FC9];
	(tm) =	ssettm $0x1  }
0x8e: {  	s16 =	sld [smem:$0x3FFB];
	_ =	sdelay $0x3  }
0x8f: {  	_ =	strace s16  }
0x90: {  	s1 =	sld [smem:$0x3FFC];
	_ =	sdelay $0x3  }
0x91: {  	_ =	strace s1  }
0x92: {  	s1 =	sld [smem:$0x3FFD];
	_ =	sdelay $0x3  }
0x93: {  	_ =	strace s1  }
0x94: {  	_ =	strace $0x8FFFFFFF  }
0x95: {  	s17 =	sld [smem:$0x3FDB];
	_ =	sdelay $0x1  }
0x96: {  	s2 =	simm.s32 $_scs_section_size  }
0x97: {  	s3 =	simm.s32 $_size__tile_overlayer_lowered;
	s4 =	simm.s32 $_tile_overlayer_lowered  }
0x98: {  	s20 =	simm.s32 $0x1BFF;
	s19 =	sshll.u32 s4, $0x1;
	s1 =	sadd.s32 s2, s17  }
0x99: {  	s5 =	simm.s32 $0x0;
	s18 =	sshll.u32 s3, $0x1;
	s3 =	sadd.s32 s19, s1  }
0x9a: {  	[timem:s5], [sflag:s20] =	dma.local [hbm:s3], s18  }
0x9b: {  	_ =	swait.ge [sflag:s20], s18  }
0x9c: {  	s2 =	ssub.s32 $0x0, s18;
	[sflag:s20] =	ssyncset.done $0x0  }
0x9d: {  	[sflag:s20] =	ssyncadd.s32 s2;
	_ =	sdelay $0x1  }
0x9e: {  	s21 =	simm.s32 $0x1B8B  }
0x9f: {  	_ =	swait.ge [sflag:s21], $0x1  }
0xa0: {  	[sflag:s21] =	ssyncset.done $0x0  }
0xa1: {  	s23 =	simm.s32 $0x1B8E;
	s22 =	sld [smem:$0x3FFE];
	[sflag:s21] =	ssyncadd.s32 $0xFFFFFFFF  }
0xa2: {  	s24 =	simm.s32 $execute0_lowered;
	[smem:$0x3FD2] =	sst s23  }
0xa3: {  	s3 =	sshll.u32 s24, $0x1;
	_ =	strace $0x80000046;
	[dreg:$0x1] =	wrdreg $0xFFFFFFFF  }
0xa4: {  	s25 =	simm.s32 $_size_execute0_lowered;
	s1 =	sadd.s32 s1, s3;
	[dreg:$0x0] =	wrdreg $0x0  }
0xa5: {  	s3 =	sshll.u32 s25, $0x1;
	[dreg:$0x2] =	wrdreg s1  }
0xa6: {  	[dreg:$0x3] =	wrdreg s3  }
0xa7: {  	[dreg:$0x4] =	wrdreg $0xC0  }
0xa8: {  	_ =	task [dreg:s5], $0x5FFFF  }
0xa9: {  	[dreg:$0x1] =	wrdreg $0xFFFFFFFF  }
0xaa: {  	[dreg:$0x0] =	wrdreg $0x60  }
0xab: {  	[dreg:$0x2] =	wrdreg s0  }
0xac: {  	[dreg:$0x3] =	wrdreg s22  }
0xad: {  	[dreg:$0x4] =	wrdreg $0x9  }
0xae: {  	_ =	task.clear_ibuf [dreg:s5], $0x5FFFF;
	_ =	strace $0x90000046  }
0xaf: {  	s26 =	simm.s32 $0x9;
	_ =	strace $0x80000048  }
0xb0: {  	_ =	swait.ge [sflag:s26], $0x1  }
0xb1: {  	[sflag:s26] =	ssyncadd.s32 $0xFFFFFFFF  }
0xb2: {  	_ =	strace $0x90000048  }
0xb3: {  	_ =	sfence  }
0xb4: {  	s28 =	sld [smem:$0x0];
	_ =	sdelay $0x1  }
0xb5: {  	s29 =	srdreg.scid  }
0xb6: {  	s30 =	sshll.u32 s29, $0xD;
	s31 =	sshrl.u32 s29, $0x2  }
0xb7: {  	s2 =	sand.u32 $0x4000, s30;
	s1 =	sand.u32 $0x1, s29;
	s0 =	sadd.s32 s31, s28  }
0xb8: {  	s1 =	sor.u32 s2, s1;
	s0 =	sshll.u32 s0, $0x11  }
0xb9: {  	s0 =	sor.u32 s0, s1  }
0xba: {  	s0 =	sadd.s32 $0x8F2B, s0  }
0xbb: {  	[sflag:s0] =	ssyncadd.remote.s32 $0x1  }
0xbc: {  	_ =	sfence.sel $0xFFFF  }
0xbd: {  	[dreg:$0x0] =	wrdreg $0xFFFFFFFF;
	(pc) =	sbr.abs _section_cstart, $3  }
0xbe: {  	[dreg:$0x1] =	wrdreg $0xFFFFFFFF  }
0xbf: {  	_ =	task.clear_ibuf [dreg:s5], $0x2FFFF;
	_ =	strace $0x9FFFFFFF  }
0xc0: {  	(tm) =	ssettm $0x7FFFFFFF  }
0xc1: {  	_ =	shalt  }
tec
execute0_lowered:
.L_overlay_start_1:
0x0: {  	(tag) =	ssettag $0x1  }
0x1: {  	s0 =	rddreg [dreg:$0x0]  }
0x2: {  	s1 =	rddreg [dreg:$0x1];
	s2 =	stileid.u32  }
0x3: {  	s3 =	rddreg [dreg:$0x2];
	s4 =	simm.s32 $0x0;
	s5 =	sshll.u32 s2, $0x2  }
0x4: {  	[smem:$0x7FF] =	sst s4;
	s5 =	sadd.s32 s5, s1  }
0x5: {  	s28 =	simm.s32 $0x2;
	_ =	strace $0x80000047;
	s5 =	sadd.s32 $0x600, s5  }
0x6: {  	[tilespmem:s4], [sflag:$0x2] =	stream.linear.gather [hbm4b:s5+s4], $0x20, $0x38;
	[tilespmem:$0x1100] =	vst v63  }
0x7: {  	_ =	swait.ge [sflag:s28], $0x20  }
0x8: {  	[sflag:s28] =	ssyncset.done $0x0  }
0x9: {  	[sflag:s28] =	ssyncadd.s32 $0xFFFFFFE0  }
0xa: {  	v0 =	vld [tilespmem:$0x0]  }
0xb: {  	v1 =	vld [tilespmem:$0x10]  }
0xc: {  	s6 =	sshrl.u32 s2, $0x1  }
0xd: {  	s6 =	smul.u32 $0xA180, s6;
	_ =	sdelay $0x1  }
0xe: {  	v0 =	vadd.s32 s6, v0  }
0xf: {  	s29 =	simm.s32 $0x20;
	v1 =	vadd.s32 s6, v1;
	[tilespmem:$0x80] =	vst v0  }
0x10: {  	s7 =	simm.s32 $0x80;
	s8 =	simm.s32 $0x100;
	s30 =	simm.s32 $0x1;
	[tilespmem:$0x90] =	vst v1  }
0x11: {  	[tilespmem:s8], [sflag:$0x1] =	stream.indirect.gather [hbm4b:s0+s29], $0x80, s7, s29, $0xb8;
	[tilespmem:$0x1100] =	vst v63  }
0x12: {  	s31 =	sshll.u32 s2, $0x9;
	_ =	swait.ge [sflag:s30], $0x1000  }
0x13: {  	s1 =	sadd.s32 s31, s1;
	[sflag:s30] =	ssyncset.done $0x0  }
0x14: {  	s1 =	sadd.s32 $0x800, s1;
	[sflag:s30] =	ssyncadd.s32 $0xFFFFF000  }
0x15: {  	[hbm4b:s1+s4] =	stream.linear.scatter [tilespmem:s8], [sflag:$0x2], $0x1000, $0x38;
	[tilespmem:$0x1100] =	vst v63  }
0x16: {  	_ =	swait.ge [sflag:s28], $0x1000  }
0x17: {  	[sflag:s28] =	ssyncset.done $0x0  }
0x18: {  	[sflag:s28] =	ssyncadd.s32 $0xFFFFF000  }
0x19: {  	_ =	sfence.sel $0x180000  }
0x1a: {  	[bflag:$0x0] =	sbarrier.arrive $0xFFFF  }
0x1b: {  	p0 =	sne.s32 s2, $0x0;
	_ =	strace $0x90000047  }
0x1c: {  	s0 =	sadd.s32 @!p0 $0x100000, s3;
	[bflag:$0x2] =	sbarrier.arrive $0xFFFF  }
0x1d: {  	[sflag:s0] =	ssyncadd.tile.s32 @!p0 $0x1;
	_ =	shalt  }
.Lfunc_end2:
_tile_overlayer_lowered:
.L_overlay_start_2:
0x1e: {  	(tag) =	ssettag $0x2  }
0x1f: {  	s0 =	rddreg [dreg:$0x0];
	s2 =	stileid.u32  }
0x20: {  	s1 =	rddreg [dreg:$0x1];
	p0 =	sne.s32 s2, $0x0  }
0x21: {  	s3 =	rddreg [dreg:$0x2];
	[bflag:$0x3] =	sbarrier.arrive $0xFFFF;
	s2 =	simm.s32 @!p0 $0x1C02  }
0x22: {  	[timem:s3], [sflag:s2] =	dma.local @!p0 [hbm:s0], s1  }
0x23: {  	s0 =	simm.s32 @!p0 $0x2  }
0x24: {  	_ =	swait.ge @!p0 [sflag:s0], s1  }
0x25: {  	s1 =	ssub.s32 @!p0 $0x0, s1;
	[sflag:s0] =	ssyncset.done @!p0 $0x0  }
0x26: {  	[sflag:s0] =	ssyncadd.s32 @!p0 s1  }
0x27: {  	[bflag:$0x3] =	sbarrier.arrive $0xFFFF  }
0x28: {  	_ =	shalt  }

</sc_bundles>
